<compile_context>
chip_gen: v7x
topology: tpu7x:2x2x1
jax: 0.10.2.dev20260603
libtpu: 0.0.44.dev20260713+nightly
codegen_flags: <defaults>
</compile_context>

<pallas_src>
import functools

import jax
import jax.numpy as jnp
from jax import lax
from jax.experimental import pallas as pl
from jax.experimental.pallas import tpu as pltpu
from jax.experimental.pallas import tpu_sc as plsc

TEMP = 0.1
BASE_TEMP = 1.0
FLAT = 120000
KT = 3840
NSTEPS = (FLAT + KT - 1) // KT
NEG = -1e30
_INTERPRET = False


def _sc_gather(labf, idx_pad):
    info = plsc.get_sparse_core_info()
    nc = info.num_cores
    mesh = plsc.VectorSubcoreMesh(core_axis_name="c", subcore_axis_name="s")

    @functools.partial(
        pl.kernel, mesh=mesh,
        out_type=jax.ShapeDtypeStruct((512,), jnp.float32),
        scratch_types=[
            pltpu.VMEM((16,), jnp.int32),
            pltpu.VMEM((16,), jnp.float32),
            pltpu.SemaphoreType.DMA,
        ],
    )
    def gather_kernel(lab_hbm, idx_hbm, out_hbm, idxv, outv, sem):
        wid = lax.axis_index("s") * nc + lax.axis_index("c")
        base = wid * 16
        pltpu.sync_copy(idx_hbm.at[pl.ds(base, 16)], idxv)
        pltpu.async_copy(lab_hbm.at[idxv], outv, sem).wait()
        pltpu.sync_copy(outv, out_hbm.at[pl.ds(base, 16)])

    return gather_kernel(labf, idx_pad)


def _loss_kernel(xc_ref, xf_ref, w1_ref,
                 lic_row_ref, lic_col_ref, liff_row_ref,
                 t1_row_ref, t2_row_ref, t1_col_ref, t2_col_ref, clsf_row_ref,
                 b1_ref, b2_ref, w2_ref,
                 out_ref, acc_c, acc_f):
    k = pl.program_id(0)

    @pl.when(k == 0)
    def _init():
        acc_c[...] = jnp.zeros_like(acc_c)
        acc_f[...] = jnp.zeros_like(acc_f)

    @pl.when(k < NSTEPS - 1)
    def _full():
        w1 = w1_ref[...]
        acc_c[...] += jnp.dot(xc_ref[...], w1, preferred_element_type=jnp.float32)
        acc_f[...] += jnp.dot(xf_ref[...], w1, preferred_element_type=jnp.float32)

    @pl.when(k == NSTEPS - 1)
    def _last():
        rem = FLAT - (NSTEPS - 1) * KT
        colmask = lax.broadcasted_iota(jnp.int32, (1, KT), 1) < rem
        rowmask = lax.broadcasted_iota(jnp.int32, (KT, 1), 0) < rem
        xc = jnp.where(colmask, xc_ref[...], 0.0)
        xf = jnp.where(colmask, xf_ref[...], 0.0)
        w1 = jnp.where(rowmask, w1_ref[...], 0.0)
        acc_c[...] += jnp.dot(xc, w1, preferred_element_type=jnp.float32)
        acc_f[...] += jnp.dot(xf, w1, preferred_element_type=jnp.float32)

        b1 = b1_ref[...]
        b2 = b2_ref[...]
        w2 = w2_ref[...]
        hc = jnp.maximum(acc_c[...] + b1, 0.0)
        hf = jnp.maximum(acc_f[...] + b1, 0.0)
        aemb = jnp.dot(hc, w2, preferred_element_type=jnp.float32) + b2
        femb = jnp.dot(hf, w2, preferred_element_type=jnp.float32) + b2
        zemb = jnp.dot(jnp.maximum(b1, 0.0), w2,
                       preferred_element_type=jnp.float32) + b2

        lab_ic_row = lic_row_ref[...]
        lab_ic_col = lic_col_ref[...]
        lab_iff_row = liff_row_ref[...]
        t1_row = t1_row_ref[...]
        t2_row = t2_row_ref[...]
        t1_col = t1_col_ref[...]
        t2_col = t2_col_ref[...]
        clsf_row = clsf_row_ref[...]

        cond_col = (t1_col != lab_ic_col) & (t2_col == lab_ic_col)
        cond_row = (t1_row != lab_ic_row) & (t2_row == lab_ic_row)
        condf_row = clsf_row == lab_iff_row
        n_sel = jnp.sum(cond_col.astype(jnp.float32))

        femb2 = femb * femb
        aemb2 = aemb * aemb
        aemb_m = jnp.where(cond_col, aemb, 0.0)
        colnorm = jnp.sqrt(jnp.sum(aemb_m * aemb_m, axis=0, keepdims=True))
        anchor = aemb_m / jnp.maximum(colnorm, 1e-12)
        z2 = zemb * zemb

        posmask = condf_row & (clsf_row == t2_col)
        pm = posmask.astype(jnp.float32)
        lenP = jnp.sum(pm, axis=1, keepdims=True)
        maxP = jnp.max(jnp.where(cond_col, lenP, 0.0))
        norm2P = (jnp.dot(pm, femb2, preferred_element_type=jnp.float32)
                  + (maxP - lenP) * z2)
        denP = jnp.maximum(jnp.sqrt(norm2P), 1e-12)
        anchorP = anchor / denP
        num = lax.dot_general(anchorP, femb, (((1,), (1,)), ((), ())),
                              preferred_element_type=jnp.float32) / TEMP
        pad_num = jnp.sum(anchorP * zemb, axis=1, keepdims=True) / TEMP

        maskA = condf_row & (clsf_row == t1_col)
        maskB = cond_row & (t1_row == t2_col)
        ma = maskA.astype(jnp.float32)
        mb = maskB.astype(jnp.float32)
        lenQ = (jnp.sum(ma, axis=1, keepdims=True)
                + jnp.sum(mb, axis=1, keepdims=True))
        maxQ = jnp.max(jnp.where(cond_col, lenQ, 0.0))
        norm2Q = (jnp.dot(ma, femb2, preferred_element_type=jnp.float32)
                  + jnp.dot(mb, aemb2, preferred_element_type=jnp.float32)
                  + (maxQ - lenQ) * z2)
        denQ = jnp.maximum(jnp.sqrt(norm2Q), 1e-12)
        anchorQ = anchor / denQ
        sF = lax.dot_general(anchorQ, femb, (((1,), (1,)), ((), ())),
                             preferred_element_type=jnp.float32) / TEMP
        sB = lax.dot_general(anchorQ, aemb, (((1,), (1,)), ((), ())),
                             preferred_element_type=jnp.float32) / TEMP
        sFm = jnp.where(maskA, sF, NEG)
        sBm = jnp.where(maskB, sB, NEG)
        has_pad = lenQ < maxQ
        m = jnp.maximum(jnp.max(sFm, axis=1, keepdims=True),
                        jnp.max(sBm, axis=1, keepdims=True))
        m = jnp.maximum(m, jnp.where(has_pad, 0.0, NEG))
        expF = jnp.where(maskA, jnp.exp(sFm - m), 0.0)
        expB = jnp.where(maskB, jnp.exp(sBm - m), 0.0)
        logsum = jnp.log(jnp.sum(expF, axis=1, keepdims=True)
                         + jnp.sum(expB, axis=1, keepdims=True)
                         + (maxQ - lenQ) * jnp.exp(-m))
        numsum = (jnp.sum(jnp.where(posmask, num, 0.0), axis=1, keepdims=True)
                  + (maxP - lenP) * pad_num)
        mean_lp = (numsum - maxP * logsum) / maxP
        loss = -(TEMP / BASE_TEMP) * mean_lp
        total = jnp.sum(jnp.where(cond_col, loss, 0.0)) / n_sel
        out_ref[...] = jnp.full((1, 128), total, jnp.float32)


def kernel(label, samples_of_further_pairs, class_of_further_pair,
           idx_further_pair, samples_of_closest_pairs, class_of_closest_pair,
           idx_closest_pair, W1, b1, W2, b2):
    Xc = samples_of_closest_pairs.reshape(128, FLAT)
    Xf = samples_of_further_pairs.reshape(256, FLAT)
    labf = label.astype(jnp.float32)
    idx_all = jnp.concatenate([idx_closest_pair.astype(jnp.int32),
                               idx_further_pair.astype(jnp.int32),
                               jnp.zeros((128,), jnp.int32)])
    ccpf = class_of_closest_pair.astype(jnp.float32)
    t1_row = ccpf[:, 0].reshape(1, 128)
    t2_row = ccpf[:, 1].reshape(1, 128)
    t1_col = ccpf[:, 0].reshape(128, 1)
    t2_col = ccpf[:, 1].reshape(128, 1)
    clsf_row = class_of_further_pair[:, 0].astype(jnp.float32).reshape(1, 256)
    b1r = b1.reshape(1, 128)
    b2r = b2.reshape(1, 128)

    gathered = _sc_gather(labf, idx_all)
    lic_row = gathered[:128].reshape(1, 128)
    lic_col = gathered[:128].reshape(128, 1)
    liff_row = gathered[128:384].reshape(1, 256)

    def full(shape):
        return pl.BlockSpec(shape, lambda k: (0,) * len(shape))

    out = pl.pallas_call(
        _loss_kernel,
        grid=(NSTEPS,),
        in_specs=[
            pl.BlockSpec((128, KT), lambda k: (0, k)),
            pl.BlockSpec((256, KT), lambda k: (0, k)),
            pl.BlockSpec((KT, 128), lambda k: (k, 0)),
            full((1, 128)), full((128, 1)), full((1, 256)),
            full((1, 128)), full((1, 128)), full((128, 1)), full((128, 1)),
            full((1, 256)), full((1, 128)), full((1, 128)), full((128, 128)),
        ],
        out_specs=pl.BlockSpec((1, 128), lambda k: (0, 0)),
        out_shape=jax.ShapeDtypeStruct((1, 128), jnp.float32),
        scratch_shapes=[pltpu.VMEM((128, 128), jnp.float32),
                        pltpu.VMEM((256, 128), jnp.float32)],
        compiler_params=pltpu.CompilerParams(
            dimension_semantics=("arbitrary",)),
        interpret=_INTERPRET,
    )(Xc, Xf, W1, lic_row, lic_col, liff_row,
      t1_row, t2_row, t1_col, t2_col, clsf_row, b1r, b2r, W2)
    return out[0, 0]

# --- scband reference (transcript-rebuilt; emitter-appended) ---
"""Pipeline reference for scband-democracy-loss-71880572666224 (READ-ONLY COPY).

The authoritative reference and input builder live on the scoring server;
editing this copy changes nothing except your own understanding.
"""

import jax, jax.numpy as jnp
import numpy as np

TEMP = 0.1
BASE_TEMP = 1.0
SAMPLE_SHAPE = (300, 25, 16)
FLAT = 300 * 25 * 16


def _embed(x, W1, b1, W2, b2):
    h = jnp.maximum(jnp.matmul(x, W1) + b1, 0.0)
    return jnp.matmul(h, W2) + b2


def _normalize(x, axis):
    n = jnp.sqrt(jnp.sum(x * x, axis=axis, keepdims=True))
    return x / jnp.maximum(n, 1e-12)


def _plan(label, class_of_further_pair, idx_further_pair, class_of_closest_pair, idx_closest_pair):
    lab = label
    ccp = class_of_closest_pair
    cfp = class_of_further_pair
    ic = idx_closest_pair
    iff = idx_further_pair
    cond = (ccp[:, 0] != lab[ic]) & (ccp[:, 1] == lab[ic])
    order = jnp.argsort(jnp.where(cond, 0, 1))
    n_sel = jnp.sum(cond.astype(jnp.int32))
    condf = cfp[:, 0] == lab[iff]
    forder = jnp.argsort(jnp.where(condf, 0, 1))
    n_fsel = jnp.sum(condf.astype(jnp.int32))
    t1 = ccp[order, 0]
    t2 = ccp[order, 1]
    cls_f = cfp[forder, 0]
    return order, n_sel, forder, n_fsel, t1, t2, cls_f


def _forward(closest, further, W1, b1, W2, b2, plan):
    order, n_sel, forder, n_fsel, t1, t2, cls_f = plan
    Nb = closest.shape[0]
    Fb = further.shape[0]
    examples = jnp.take(closest, order, axis=0)
    correct_samples = jnp.take(further, forder, axis=0)
    valid = jnp.arange(Nb) < n_sel
    validf = jnp.arange(Fb) < n_fsel
    aemb = _embed(examples.reshape(Nb, FLAT), W1, b1, W2, b2)
    femb = _embed(correct_samples.reshape(Fb, FLAT), W1, b1, W2, b2)
    zemb = _embed(jnp.zeros((FLAT,), jnp.float32), W1, b1, W2, b2)
    z2 = zemb * zemb
    femb2 = femb * femb
    aemb2 = aemb * aemb
    anchor = _normalize(jnp.where(valid[:, None], aemb, 0.0), -2)
    posmask = validf[None, :] & (cls_f[None, :] == t2[:, None])
    pm = posmask.astype(jnp.float32)
    lenP = jnp.sum(pm, axis=1)
    maxP = jnp.max(jnp.where(valid, lenP, 0.0))
    norm2P = jnp.matmul(pm, femb2) + (maxP - lenP)[:, None] * z2[None, :]
    denP = jnp.maximum(jnp.sqrt(norm2P), 1e-12)
    pos = femb[None, :, :] / denP[:, None, :]
    pos = jnp.where(jnp.isnan(pos), 0.0, pos)
    pos_pad = zemb[None, :] / denP
    pos_pad = jnp.where(jnp.isnan(pos_pad), 0.0, pos_pad)
    num = jnp.einsum('ijf,if->ij', pos, anchor) / TEMP
    pad_num = jnp.sum(pos_pad * anchor, axis=1) / TEMP
    maskA = validf[None, :] & (cls_f[None, :] == t1[:, None])
    maskB = valid[None, :] & (t1[None, :] == t2[:, None])
    ma = maskA.astype(jnp.float32)
    mb = maskB.astype(jnp.float32)
    lenQ = jnp.sum(ma, axis=1) + jnp.sum(mb, axis=1)
    maxQ = jnp.max(jnp.where(valid, lenQ, 0.0))
    norm2Q = jnp.matmul(ma, femb2) + jnp.matmul(mb, aemb2) + (maxQ - lenQ)[:, None] * z2[None, :]
    denQ = jnp.maximum(jnp.sqrt(norm2Q), 1e-12)
    negF = femb[None, :, :] / denQ[:, None, :]
    negF = jnp.where(jnp.isnan(negF), 0.0, negF)
    negA = aemb[None, :, :] / denQ[:, None, :]
    negA = jnp.where(jnp.isnan(negA), 0.0, negA)
    sF = jnp.einsum('ijf,if->ij', negF, anchor) / TEMP
    sB = jnp.einsum('ikf,if->ik', negA, anchor) / TEMP
    neg_inf = -jnp.inf
    sFm = jnp.where(maskA, sF, neg_inf)
    sBm = jnp.where(maskB, sB, neg_inf)
    has_pad = lenQ < maxQ
    m = jnp.maximum(jnp.maximum(jnp.max(sFm, axis=1), jnp.max(sBm, axis=1)),
                    jnp.where(has_pad, 0.0, neg_inf))
    m = jax.lax.stop_gradient(m)
    expF = jnp.where(maskA, jnp.exp(sFm - m[:, None]), 0.0)
    expB = jnp.where(maskB, jnp.exp(sBm - m[:, None]), 0.0)
    logsum = jnp.log(jnp.sum(expF, axis=1) + jnp.sum(expB, axis=1) + (maxQ - lenQ) * jnp.exp(-m))
    numsum = jnp.sum(jnp.where(posmask, num, 0.0), axis=1) + (maxP - lenP) * pad_num
    sum_log_prob = numsum - maxP * logsum
    mean_lp = sum_log_prob / maxP
    loss = -(TEMP / BASE_TEMP) * mean_lp
    return jnp.sum(jnp.where(valid, loss, 0.0)) / n_sel.astype(jnp.float32)


def setup_inputs(seed: int = 0):
    key = jax.random.key(seed)
    ks = jax.random.split(key, 9)
    label = jax.random.randint(ks[0], (512,), 0, 8)
    samples_of_further_pairs = jax.random.normal(ks[1], (256,) + SAMPLE_SHAPE, dtype=jnp.float32)
    class_of_further_pair = jax.random.randint(ks[2], (256, 2), 0, 8)
    idx_further_pair = jax.random.randint(ks[3], (256,), 0, 512)
    samples_of_closest_pairs = jax.random.normal(ks[4], (128,) + SAMPLE_SHAPE, dtype=jnp.float32)
    class_of_closest_pair = jax.random.randint(ks[5], (128, 2), 0, 8)
    idx_closest_pair = jax.random.randint(ks[6], (128,), 0, 512)
    W1 = jax.random.normal(ks[7], (FLAT, 128), dtype=jnp.float32) / np.sqrt(FLAT)
    b1 = jnp.zeros((128,), jnp.float32)
    W2 = jax.random.normal(ks[8], (128, 128), dtype=jnp.float32) / np.sqrt(128)
    b2 = jnp.zeros((128,), jnp.float32)
    return {"label": label, "samples_of_further_pairs": samples_of_further_pairs, "class_of_further_pair": class_of_further_pair, "idx_further_pair": idx_further_pair, "samples_of_closest_pairs": samples_of_closest_pairs, "class_of_closest_pair": class_of_closest_pair, "idx_closest_pair": idx_closest_pair, "W1": W1, "b1": b1, "W2": W2, "b2": b2}


def reference(label, samples_of_further_pairs, class_of_further_pair, idx_further_pair, samples_of_closest_pairs, class_of_closest_pair, idx_closest_pair, W1, b1, W2, b2):
    plan = _plan(label, class_of_further_pair, idx_further_pair, class_of_closest_pair, idx_closest_pair)
    return _forward(samples_of_closest_pairs, samples_of_further_pairs, W1, b1, W2, b2, plan)

if __name__ == "__main__":
    import jax
    _d = setup_inputs()
    print(jax.jit(kernel)(*tuple(_d.values())))

</pallas_src>

<mosaic_0001>
#map = affine_map<(d0, d1) -> (0)>
module attributes {stable_mosaic.version = 14 : i64} {
  func.func @gather_kernel(%arg0: i32, %arg1: i32, %arg2: memref<512xf32, #tpu.memory_space<hbm>>, %arg3: memref<512xi32, #tpu.memory_space<hbm>>, %arg4: memref<512xf32, #tpu.memory_space<hbm>>, %arg5: memref<16xi32, #tpu.memory_space<vmem>>, %arg6: memref<16xf32, #tpu.memory_space<vmem>>, %arg7: memref<!tpu.dma_semaphore, #tpu.memory_space<semaphore_mem>>) attributes {dimension_semantics = [#tpu.dimension_semantics<core_parallel>, #tpu.dimension_semantics<subcore_parallel>], iteration_bounds = array<i64: 2, 16>, scalar_prefetch = 0 : i64, scratch_operands = 3 : i64, tpu.core_type = #tpu.core_type<sc_vector_subcore>, window_params = [{transform_indices = #map}, {transform_indices = #map}, {transform_indices = #map}]} {
    %mul3A = arith.constant 2 : i32
    %mul3A_0 = arith.muli %arg1, %mul3A : i32
    %add3A = arith.addi %mul3A_0, %arg0 : i32
    %mul3A_1 = arith.constant 16 : i32
    %mul3A_2 = arith.muli %add3A, %mul3A_1 : i32
    "tpu.region"() ({
      %run_scoped3A = tpu.sem_alloc : memref<!tpu.dma_semaphore, #tpu.memory_space<semaphore_mem>>
      %dma_start3A_5 = tpu.memref_slice %arg3[%mul3A_2] : memref<512xi32, #tpu.memory_space<hbm>> -> memref<16xi32, #tpu.memory_space<hbm>>
      %dma_start3A_6 = tpu.memref_slice %arg3[%mul3A_2] : memref<512xi32, #tpu.memory_space<hbm>> -> memref<16xi32, #tpu.memory_space<hbm>>
      tpu.enqueue_dma source(%dma_start3A_6 : memref<16xi32, #tpu.memory_space<hbm>>) target(%arg5 : memref<16xi32, #tpu.memory_space<vmem>>) target_semaphore(%run_scoped3A : memref<!tpu.dma_semaphore, #tpu.memory_space<semaphore_mem>>)
      %dma_wait3A_7 = tpu.memref_slice %arg3[%mul3A_2] : memref<512xi32, #tpu.memory_space<hbm>> -> memref<16xi32, #tpu.memory_space<hbm>>
      %dma_wait3A_8 = tpu.memref_slice %arg3[%mul3A_2] : memref<512xi32, #tpu.memory_space<hbm>> -> memref<16xi32, #tpu.memory_space<hbm>>
      tpu.wait_dma2 semaphore(%run_scoped3A : memref<!tpu.dma_semaphore, #tpu.memory_space<semaphore_mem>>) src(%dma_wait3A_8 : memref<16xi32, #tpu.memory_space<hbm>>) dst(%arg5 : memref<16xi32, #tpu.memory_space<vmem>>)
      tpu.yield
    }) : () -> ()
    %dma_start3A = arith.constant 0 : i32
    %dma_start3A_3 = tpu.memref_slice %arg2[%dma_start3A] : memref<512xf32, #tpu.memory_space<hbm>> -> memref<512xf32, #tpu.memory_space<hbm>>
    tpu.enqueue_indirect_dma source(%dma_start3A_3 : memref<512xf32, #tpu.memory_space<hbm>>) target(%arg6 : memref<16xf32, #tpu.memory_space<vmem>>) offsets(%arg5 : memref<16xi32, #tpu.memory_space<vmem>>) semaphore(%arg7 : memref<!tpu.dma_semaphore, #tpu.memory_space<semaphore_mem>>)
    %dma_wait3A = arith.constant 0 : i32
    %dma_wait3A_4 = tpu.memref_slice %arg2[%dma_wait3A] : memref<512xf32, #tpu.memory_space<hbm>> -> memref<512xf32, #tpu.memory_space<hbm>>
    tpu.wait_indirect_dma semaphore(%arg7 : memref<!tpu.dma_semaphore, #tpu.memory_space<semaphore_mem>>) src(%dma_wait3A_4 : memref<512xf32, #tpu.memory_space<hbm>>) dst(%arg6 : memref<16xf32, #tpu.memory_space<vmem>>)
    "tpu.region"() ({
      %run_scoped3A = tpu.sem_alloc : memref<!tpu.dma_semaphore, #tpu.memory_space<semaphore_mem>>
      %dma_start3A_5 = tpu.memref_slice %arg4[%mul3A_2] : memref<512xf32, #tpu.memory_space<hbm>> -> memref<16xf32, #tpu.memory_space<hbm>>
      %dma_start3A_6 = tpu.memref_slice %arg4[%mul3A_2] : memref<512xf32, #tpu.memory_space<hbm>> -> memref<16xf32, #tpu.memory_space<hbm>>
      tpu.enqueue_dma source(%arg6 : memref<16xf32, #tpu.memory_space<vmem>>) target(%dma_start3A_6 : memref<16xf32, #tpu.memory_space<hbm>>) target_semaphore(%run_scoped3A : memref<!tpu.dma_semaphore, #tpu.memory_space<semaphore_mem>>)
      %dma_wait3A_7 = tpu.memref_slice %arg4[%mul3A_2] : memref<512xf32, #tpu.memory_space<hbm>> -> memref<16xf32, #tpu.memory_space<hbm>>
      %dma_wait3A_8 = tpu.memref_slice %arg4[%mul3A_2] : memref<512xf32, #tpu.memory_space<hbm>> -> memref<16xf32, #tpu.memory_space<hbm>>
      tpu.wait_dma2 semaphore(%run_scoped3A : memref<!tpu.dma_semaphore, #tpu.memory_space<semaphore_mem>>) src(%arg6 : memref<16xf32, #tpu.memory_space<vmem>>) dst(%dma_wait3A_8 : memref<16xf32, #tpu.memory_space<hbm>>)
      tpu.yield
    }) : () -> ()
    return
  }
}

module attributes {stable_mosaic.version = 14 : i64} {
  func.func @_loss_kernel(%arg0: i32, %arg1: memref<128x3840xf32, #tpu.memory_space<vmem>>, %arg2: memref<256x3840xf32, #tpu.memory_space<vmem>>, %arg3: memref<3840x128xf32, #tpu.memory_space<vmem>>, %arg4: memref<1x128xf32, #tpu.memory_space<vmem>>, %arg5: memref<128x1xf32, #tpu.memory_space<vmem>>, %arg6: memref<1x256xf32, #tpu.memory_space<vmem>>, %arg7: memref<1x128xf32, #tpu.memory_space<vmem>>, %arg8: memref<1x128xf32, #tpu.memory_space<vmem>>, %arg9: memref<128x1xf32, #tpu.memory_space<vmem>>, %arg10: memref<128x1xf32, #tpu.memory_space<vmem>>, %arg11: memref<1x256xf32, #tpu.memory_space<vmem>>, %arg12: memref<1x128xf32, #tpu.memory_space<vmem>>, %arg13: memref<1x128xf32, #tpu.memory_space<vmem>>, %arg14: memref<128x128xf32, #tpu.memory_space<vmem>>, %arg15: memref<1x128xf32, #tpu.memory_space<vmem>>, %arg16: memref<128x128xf32, #tpu.memory_space<vmem>>, %arg17: memref<256x128xf32, #tpu.memory_space<vmem>>) attributes {dimension_semantics = [#tpu.dimension_semantics<arbitrary>], iteration_bounds = array<i64: 32>, scalar_prefetch = 0 : i64, scratch_operands = 2 : i64, tpu.core_type = #tpu.core_type<tc>, window_params = [{transform_indices = @transform_0, window_bounds = array<i64: 128, 3840>}, {transform_indices = @transform_1, window_bounds = array<i64: 256, 3840>}, {transform_indices = @transform_2, window_bounds = array<i64: 3840, 128>}, {pipeline_mode = #tpu.pipeline_mode<synchronous>, transform_indices = @transform_3, window_bounds = array<i64: 1, 128>}, {pipeline_mode = #tpu.pipeline_mode<synchronous>, transform_indices = @transform_4, window_bounds = array<i64: 128, 1>}, {pipeline_mode = #tpu.pipeline_mode<synchronous>, transform_indices = @transform_5, window_bounds = array<i64: 1, 256>}, {pipeline_mode = #tpu.pipeline_mode<synchronous>, transform_indices = @transform_6, window_bounds = array<i64: 1, 128>}, {pipeline_mode = #tpu.pipeline_mode<synchronous>, transform_indices = @transform_7, window_bounds = array<i64: 1, 128>}, {pipeline_mode = #tpu.pipeline_mode<synchronous>, transform_indices = @transform_8, window_bounds = array<i64: 128, 1>}, {pipeline_mode = #tpu.pipeline_mode<synchronous>, transform_indices = @transform_9, window_bounds = array<i64: 128, 1>}, {pipeline_mode = #tpu.pipeline_mode<synchronous>, transform_indices = @transform_10, window_bounds = array<i64: 1, 256>}, {pipeline_mode = #tpu.pipeline_mode<synchronous>, transform_indices = @transform_11, window_bounds = array<i64: 1, 128>}, {pipeline_mode = #tpu.pipeline_mode<synchronous>, transform_indices = @transform_12, window_bounds = array<i64: 1, 128>}, {pipeline_mode = #tpu.pipeline_mode<synchronous>, transform_indices = @transform_13, window_bounds = array<i64: 128, 128>}, {pipeline_mode = #tpu.pipeline_mode<synchronous>, transform_indices = @transform_14, window_bounds = array<i64: 1, 128>}]} {
    %eq3A = arith.constant 0 : i32
    %eq3A_0 = arith.cmpi eq, %arg0, %eq3A : i32
    %convert_element_type3A = arith.extui %eq3A_0 : i1 to i32
    %cond3A = arith.constant 0 : i32
    %cond3A_1 = arith.cmpi ne, %convert_element_type3A, %cond3A : i32
    scf.if %cond3A_1 {
      %broadcast_in_dim3A = arith.constant 0.000000e+00 : f32
      %broadcast_in_dim3A_11 = vector.broadcast %broadcast_in_dim3A : f32 to vector<128x128xf32>
      %swap3A = arith.constant 0 : index
      %swap3A_12 = arith.constant 0 : index
      %swap3A_13 = vector.load %arg16[%swap3A, %swap3A_12] : memref<128x128xf32, #tpu.memory_space<vmem>>, vector<128x128xf32>
      tpu.vector_store %arg16[%swap3A, %swap3A_12], %broadcast_in_dim3A_11 {strides = array<i32>} : memref<128x128xf32, #tpu.memory_space<vmem>>, vector<128x128xf32>,
      %broadcast_in_dim3A_14 = arith.constant 0.000000e+00 : f32
      %broadcast_in_dim3A_15 = vector.broadcast %broadcast_in_dim3A_14 : f32 to vector<256x128xf32>
      %swap3A_16 = arith.constant 0 : index
      %swap3A_17 = arith.constant 0 : index
      %swap3A_18 = vector.load %arg17[%swap3A_16, %swap3A_17] : memref<256x128xf32, #tpu.memory_space<vmem>>, vector<256x128xf32>
      tpu.vector_store %arg17[%swap3A_16, %swap3A_17], %broadcast_in_dim3A_15 {strides = array<i32>} : memref<256x128xf32, #tpu.memory_space<vmem>>, vector<256x128xf32>,
    } else {
    }
    %lt3A = arith.constant 31 : i32
    %lt3A_2 = arith.cmpi slt, %arg0, %lt3A : i32
    %convert_element_type3A_3 = arith.extui %lt3A_2 : i1 to i32
    %cond3A_4 = arith.constant 0 : i32
    %cond3A_5 = arith.cmpi ne, %convert_element_type3A_3, %cond3A_4 : i32
    scf.if %cond3A_5 {
      %get3A = arith.constant 0 : index
      %get3A_11 = arith.constant 0 : index
      %get3A_12 = vector.load %arg3[%get3A, %get3A_11] : memref<3840x128xf32, #tpu.memory_space<vmem>>, vector<3840x128xf32>
      %get3A_13 = arith.constant 0 : index
      %get3A_14 = arith.constant 0 : index
      %get3A_15 = vector.load %arg16[%get3A_13, %get3A_14] : memref<128x128xf32, #tpu.memory_space<vmem>>, vector<128x128xf32>
      %get3A_16 = arith.constant 0 : index
      %get3A_17 = arith.constant 0 : index
      %get3A_18 = vector.load %arg1[%get3A_16, %get3A_17] : memref<128x3840xf32, #tpu.memory_space<vmem>>, vector<128x3840xf32>
      %dot_general3A = arith.constant dense<0.000000e+00> : vector<128x128xf32>
      %dot_general3A_19 = tpu.matmul %get3A_18, %get3A_12, %dot_general3A {dimension_numbers = #tpu.dot_dimension_numbers<[1], [0], [0], [1], [0, 0, 1, 1], [], []>, transpose_lhs_hint = false} : vector<128x3840xf32>, vector<3840x128xf32>, vector<128x128xf32> -> vector<128x128xf32>
      %add3A = arith.addf %get3A_15, %dot_general3A_19 : vector<128x128xf32>
      %swap3A = arith.constant 0 : index
      %swap3A_20 = arith.constant 0 : index
      %swap3A_21 = vector.load %arg16[%swap3A, %swap3A_20] : memref<128x128xf32, #tpu.memory_space<vmem>>, vector<128x128xf32>
      tpu.vector_store %arg16[%swap3A, %swap3A_20], %add3A {strides = array<i32>} : memref<128x128xf32, #tpu.memory_space<vmem>>, vector<128x128xf32>,
      %get3A_22 = arith.constant 0 : index
      %get3A_23 = arith.constant 0 : index
      %get3A_24 = vector.load %arg17[%get3A_22, %get3A_23] : memref<256x128xf32, #tpu.memory_space<vmem>>, vector<256x128xf32>
      %get3A_25 = arith.constant 0 : index
      %get3A_26 = arith.constant 0 : index
      %get3A_27 = vector.load %arg2[%get3A_25, %get3A_26] : memref<256x3840xf32, #tpu.memory_space<vmem>>, vector<256x3840xf32>
      %dot_general3A_28 = arith.constant dense<0.000000e+00> : vector<256x128xf32>
      %dot_general3A_29 = tpu.matmul %get3A_27, %get3A_12, %dot_general3A_28 {dimension_numbers = #tpu.dot_dimension_numbers<[1], [0], [0], [1], [0, 0, 1, 1], [], []>, transpose_lhs_hint = false} : vector<256x3840xf32>, vector<3840x128xf32>, vector<256x128xf32> -> vector<256x128xf32>
      %add3A_30 = arith.addf %get3A_24, %dot_general3A_29 : vector<256x128xf32>
      %swap3A_31 = arith.constant 0 : index
      %swap3A_32 = arith.constant 0 : index
      %swap3A_33 = vector.load %arg17[%swap3A_31, %swap3A_32] : memref<256x128xf32, #tpu.memory_space<vmem>>, vector<256x128xf32>
      tpu.vector_store %arg17[%swap3A_31, %swap3A_32], %add3A_30 {strides = array<i32>} : memref<256x128xf32, #tpu.memory_space<vmem>>, vector<256x128xf32>,
    } else {
    }
    %eq3A_6 = arith.constant 31 : i32
    %eq3A_7 = arith.cmpi eq, %arg0, %eq3A_6 : i32
    %convert_element_type3A_8 = arith.extui %eq3A_7 : i1 to i32
    %cond3A_9 = arith.constant 0 : i32
    %cond3A_10 = arith.cmpi ne, %convert_element_type3A_8, %cond3A_9 : i32
    scf.if %cond3A_10 {
      %iota3A = tpu.iota {dimensions = array<i32: 1>} : vector<1x3840xi32>
      %lt3A_11 = arith.constant 960 : i32
      %lt3A_12 = vector.broadcast %lt3A_11 : i32 to vector<1x3840xi32>
      %lt3A_13 = arith.cmpi slt, %iota3A, %lt3A_12 : vector<1x3840xi32>
      %iota3A_14 = tpu.iota {dimensions = array<i32: 0>} : vector<3840x1xi32>
      %lt3A_15 = arith.constant 960 : i32
      %lt3A_16 = vector.broadcast %lt3A_15 : i32 to vector<3840x1xi32>
      %lt3A_17 = arith.cmpi slt, %iota3A_14, %lt3A_16 : vector<3840x1xi32>
      %get3A = arith.constant 0 : index
      %get3A_18 = arith.constant 0 : index
      %get3A_19 = vector.load %arg1[%get3A, %get3A_18] : memref<128x3840xf32, #tpu.memory_space<vmem>>, vector<128x3840xf32>
      %jit3A = arith.constant 0.000000e+00 : f32
      %broadcast_in_dim3A = vector.shape_cast %lt3A_13 : vector<1x3840xi1> to vector<1x3840xi1>
      %broadcast_in_dim3A_20 = vector.broadcast %broadcast_in_dim3A : vector<1x3840xi1> to vector<128x3840xi1>
      %broadcast_in_dim3A_21 = vector.broadcast %jit3A : f32 to vector<128x3840xf32>
      %select_n3A = arith.select %broadcast_in_dim3A_20, %get3A_19, %broadcast_in_dim3A_21 : vector<128x3840xi1>, vector<128x3840xf32>
      %get3A_22 = arith.constant 0 : index
      %get3A_23 = arith.constant 0 : index
      %get3A_24 = vector.load %arg2[%get3A_22, %get3A_23] : memref<256x3840xf32, #tpu.memory_space<vmem>>, vector<256x3840xf32>
      %jit3A_25 = arith.constant 0.000000e+00 : f32
      %broadcast_in_dim3A_26 = vector.shape_cast %lt3A_13 : vector<1x3840xi1> to vector<1x3840xi1>
      %broadcast_in_dim3A_27 = vector.broadcast %broadcast_in_dim3A_26 : vector<1x3840xi1> to vector<256x3840xi1>
      %broadcast_in_dim3A_28 = vector.broadcast %jit3A_25 : f32 to vector<256x3840xf32>
      %select_n3A_29 = arith.select %broadcast_in_dim3A_27, %get3A_24, %broadcast_in_dim3A_28 : vector<256x3840xi1>, vector<256x3840xf32>
      %get3A_30 = arith.constant 0 : index
      %get3A_31 = arith.constant 0 : index
      %get3A_32 = vector.load %arg3[%get3A_30, %get3A_31] : memref<3840x128xf32, #tpu.memory_space<vmem>>, vector<3840x128xf32>
      %jit3A_33 = arith.constant 0.000000e+00 : f32
      %broadcast_in_dim3A_34 = vector.shape_cast %lt3A_17 : vector<3840x1xi1> to vector<3840x1xi1>
      %broadcast_in_dim3A_35 = vector.broadcast %broadcast_in_dim3A_34 : vector<3840x1xi1> to vector<3840x128xi1>
      %broadcast_in_dim3A_36 = vector.broadcast %jit3A_33 : f32 to vector<3840x128xf32>
      %select_n3A_37 = arith.select %broadcast_in_dim3A_35, %get3A_32, %broadcast_in_dim3A_36 : vector<3840x128xi1>, vector<3840x128xf32>
      %get3A_38 = arith.constant 0 : index
      %get3A_39 = arith.constant 0 : index
      %get3A_40 = vector.load %arg16[%get3A_38, %get3A_39] : memref<128x128xf32, #tpu.memory_space<vmem>>, vector<128x128xf32>
      %dot_general3A = arith.constant dense<0.000000e+00> : vector<128x128xf32>
      %dot_general3A_41 = tpu.matmul %select_n3A, %select_n3A_37, %dot_general3A {dimension_numbers = #tpu.dot_dimension_numbers<[1], [0], [0], [1], [0, 0, 1, 1], [], []>, transpose_lhs_hint = false} : vector<128x3840xf32>, vector<3840x128xf32>, vector<128x128xf32> -> vector<128x128xf32>
      %add3A = arith.addf %get3A_40, %dot_general3A_41 : vector<128x128xf32>
      %swap3A = arith.constant 0 : index
      %swap3A_42 = arith.constant 0 : index
      %swap3A_43 = vector.load %arg16[%swap3A, %swap3A_42] : memref<128x128xf32, #tpu.memory_space<vmem>>, vector<128x128xf32>
      tpu.vector_store %arg16[%swap3A, %swap3A_42], %add3A {strides = array<i32>} : memref<128x128xf32, #tpu.memory_space<vmem>>, vector<128x128xf32>,
      %get3A_44 = arith.constant 0 : index
      %get3A_45 = arith.constant 0 : index
      %get3A_46 = vector.load %arg17[%get3A_44, %get3A_45] : memref<256x128xf32, #tpu.memory_space<vmem>>, vector<256x128xf32>
      %dot_general3A_47 = arith.constant dense<0.000000e+00> : vector<256x128xf32>
      %dot_general3A_48 = tpu.matmul %select_n3A_29, %select_n3A_37, %dot_general3A_47 {dimension_numbers = #tpu.dot_dimension_numbers<[1], [0], [0], [1], [0, 0, 1, 1], [], []>, transpose_lhs_hint = false} : vector<256x3840xf32>, vector<3840x128xf32>, vector<256x128xf32> -> vector<256x128xf32>
      %add3A_49 = arith.addf %get3A_46, %dot_general3A_48 : vector<256x128xf32>
      %swap3A_50 = arith.constant 0 : index
      %swap3A_51 = arith.constant 0 : index
      %swap3A_52 = vector.load %arg17[%swap3A_50, %swap3A_51] : memref<256x128xf32, #tpu.memory_space<vmem>>, vector<256x128xf32>
      tpu.vector_store %arg17[%swap3A_50, %swap3A_51], %add3A_49 {strides = array<i32>} : memref<256x128xf32, #tpu.memory_space<vmem>>, vector<256x128xf32>,
      %get3A_53 = arith.constant 0 : index
      %get3A_54 = arith.constant 0 : index
      %get3A_55 = vector.load %arg12[%get3A_53, %get3A_54] : memref<1x128xf32, #tpu.memory_space<vmem>>, vector<1x128xf32>
      %get3A_56 = arith.constant 0 : index
      %get3A_57 = arith.constant 0 : index
      %get3A_58 = vector.load %arg13[%get3A_56, %get3A_57] : memref<1x128xf32, #tpu.memory_space<vmem>>, vector<1x128xf32>
      %get3A_59 = arith.constant 0 : index
      %get3A_60 = arith.constant 0 : index
      %get3A_61 = vector.load %arg14[%get3A_59, %get3A_60] : memref<128x128xf32, #tpu.memory_space<vmem>>, vector<128x128xf32>
      %get3A_62 = arith.constant 0 : index
      %get3A_63 = arith.constant 0 : index
      %get3A_64 = vector.load %arg16[%get3A_62, %get3A_63] : memref<128x128xf32, #tpu.memory_space<vmem>>, vector<128x128xf32>
      %add3A_65 = vector.broadcast %get3A_55 : vector<1x128xf32> to vector<128x128xf32>
      %add3A_66 = arith.addf %get3A_64, %add3A_65 : vector<128x128xf32>
      %max3A = arith.constant 0.000000e+00 : f32
      %max3A_67 = vector.broadcast %max3A : f32 to vector<128x128xf32>
      %max3A_68 = arith.maximumf %add3A_66, %max3A_67 : vector<128x128xf32>
      %get3A_69 = arith.constant 0 : index
      %get3A_70 = arith.constant 0 : index
      %get3A_71 = vector.load %arg17[%get3A_69, %get3A_70] : memref<256x128xf32, #tpu.memory_space<vmem>>, vector<256x128xf32>
      %add3A_72 = vector.broadcast %get3A_55 : vector<1x128xf32> to vector<256x128xf32>
      %add3A_73 = arith.addf %get3A_71, %add3A_72 : vector<256x128xf32>
      %max3A_74 = arith.constant 0.000000e+00 : f32
      %max3A_75 = vector.broadcast %max3A_74 : f32 to vector<256x128xf32>
      %max3A_76 = arith.maximumf %add3A_73, %max3A_75 : vector<256x128xf32>
      %dot_general3A_77 = arith.constant dense<0.000000e+00> : vector<128x128xf32>
      %dot_general3A_78 = tpu.matmul %max3A_68, %get3A_61, %dot_general3A_77 {dimension_numbers = #tpu.dot_dimension_numbers<[1], [0], [0], [1], [0, 0, 1, 1], [], []>, transpose_lhs_hint = false} : vector<128x128xf32>, vector<128x128xf32>, vector<128x128xf32> -> vector<128x128xf32>
      %add3A_79 = vector.broadcast %get3A_58 : vector<1x128xf32> to vector<128x128xf32>
      %add3A_80 = arith.addf %dot_general3A_78, %add3A_79 : vector<128x128xf32>
      %dot_general3A_81 = arith.constant dense<0.000000e+00> : vector<256x128xf32>
      %dot_general3A_82 = tpu.matmul %max3A_76, %get3A_61, %dot_general3A_81 {dimension_numbers = #tpu.dot_dimension_numbers<[1], [0], [0], [1], [0, 0, 1, 1], [], []>, transpose_lhs_hint = false} : vector<256x128xf32>, vector<128x128xf32>, vector<256x128xf32> -> vector<256x128xf32>
      %add3A_83 = vector.broadcast %get3A_58 : vector<1x128xf32> to vector<256x128xf32>
      %add3A_84 = arith.addf %dot_general3A_82, %add3A_83 : vector<256x128xf32>
      %max3A_85 = arith.constant 0.000000e+00 : f32
      %max3A_86 = vector.broadcast %max3A_85 : f32 to vector<1x128xf32>
      %max3A_87 = arith.maximumf %get3A_55, %max3A_86 : vector<1x128xf32>
      %dot_general3A_88 = arith.constant dense<0.000000e+00> : vector<1x128xf32>
      %dot_general3A_89 = tpu.matmul %max3A_87, %get3A_61, %dot_general3A_88 {dimension_numbers = #tpu.dot_dimension_numbers<[1], [0], [0], [1], [0, 0, 1, 1], [], []>, transpose_lhs_hint = false} : vector<1x128xf32>, vector<128x128xf32>, vector<1x128xf32> -> vector<1x128xf32>
      %add3A_90 = arith.addf %dot_general3A_89, %get3A_58 : vector<1x128xf32>
      %get3A_91 = arith.constant 0 : index
      %get3A_92 = arith.constant 0 : index
      %get3A_93 = vector.load %arg4[%get3A_91, %get3A_92] : memref<1x128xf32, #tpu.memory_space<vmem>>, vector<1x128xf32>
      %get3A_94 = arith.constant 0 : index
      %get3A_95 = arith.constant 0 : index
      %get3A_96 = vector.load %arg5[%get3A_94, %get3A_95] : memref<128x1xf32, #tpu.memory_space<vmem>>, vector<128x1xf32>
      %get3A_97 = arith.constant 0 : index
      %get3A_98 = arith.constant 0 : index
      %get3A_99 = vector.load %arg6[%get3A_97, %get3A_98] : memref<1x256xf32, #tpu.memory_space<vmem>>, vector<1x256xf32>
      %get3A_100 = arith.constant 0 : index
      %get3A_101 = arith.constant 0 : index
      %get3A_102 = vector.load %arg7[%get3A_100, %get3A_101] : memref<1x128xf32, #tpu.memory_space<vmem>>, vector<1x128xf32>
      %get3A_103 = arith.constant 0 : index
      %get3A_104 = arith.constant 0 : index
      %get3A_105 = vector.load %arg8[%get3A_103, %get3A_104] : memref<1x128xf32, #tpu.memory_space<vmem>>, vector<1x128xf32>
      %get3A_106 = arith.constant 0 : index
      %get3A_107 = arith.constant 0 : index
      %get3A_108 = vector.load %arg9[%get3A_106, %get3A_107] : memref<128x1xf32, #tpu.memory_space<vmem>>, vector<128x1xf32>
      %get3A_109 = arith.constant 0 : index
      %get3A_110 = arith.constant 0 : index
      %get3A_111 = vector.load %arg10[%get3A_109, %get3A_110] : memref<128x1xf32, #tpu.memory_space<vmem>>, vector<128x1xf32>
      %get3A_112 = arith.constant 0 : index
      %get3A_113 = arith.constant 0 : index
      %get3A_114 = vector.load %arg11[%get3A_112, %get3A_113] : memref<1x256xf32, #tpu.memory_space<vmem>>, vector<1x256xf32>
      %ne3A = arith.cmpf one, %get3A_108, %get3A_96 : vector<128x1xf32>
      %eq3A_115 = arith.cmpf oeq, %get3A_111, %get3A_96 : vector<128x1xf32>
      %and3A = arith.andi %ne3A, %eq3A_115 : vector<128x1xi1>
      %ne3A_116 = arith.cmpf one, %get3A_102, %get3A_93 : vector<1x128xf32>
      %eq3A_117 = arith.cmpf oeq, %get3A_105, %get3A_93 : vector<1x128xf32>
      %and3A_118 = arith.andi %ne3A_116, %eq3A_117 : vector<1x128xi1>
      %eq3A_119 = arith.cmpf oeq, %get3A_114, %get3A_99 : vector<1x256xf32>
      %convert_element_type3A_120 = arith.extui %and3A : vector<128x1xi1> to vector<128x1xi32>
      %convert_element_type3A_121 = arith.sitofp %convert_element_type3A_120 : vector<128x1xi32> to vector<128x1xf32>
      %reduce_sum3A = vector.shape_cast %convert_element_type3A_121 : vector<128x1xf32> to vector<1x128x1xf32>
      %reduce_sum3A_122 = arith.constant dense<0.000000e+00> : vector<1xf32>
      %reduce_sum3A_123 = vector.multi_reduction <add>, %reduce_sum3A, %reduce_sum3A_122 [1, 2] : vector<1x128x1xf32> to vector<1xf32>
      %reduce_sum3A_124 = vector.shape_cast %reduce_sum3A_123 : vector<1xf32> to vector<1x1x1xf32>
      %reduce_sum3A_125 = vector.extract %reduce_sum3A_124[0, 0, 0] : f32 from vector<1x1x1xf32>
      %mul3A = arith.mulf %add3A_84, %add3A_84 : vector<256x128xf32>
      %mul3A_126 = arith.mulf %add3A_80, %add3A_80 : vector<128x128xf32>
      %jit3A_127 = arith.constant 0.000000e+00 : f32
      %broadcast_in_dim3A_128 = vector.shape_cast %and3A : vector<128x1xi1> to vector<128x1xi1>
      %broadcast_in_dim3A_129 = vector.broadcast %broadcast_in_dim3A_128 : vector<128x1xi1> to vector<128x128xi1>
      %broadcast_in_dim3A_130 = vector.broadcast %jit3A_127 : f32 to vector<128x128xf32>
      %select_n3A_131 = arith.select %broadcast_in_dim3A_129, %add3A_80, %broadcast_in_dim3A_130 : vector<128x128xi1>, vector<128x128xf32>
      %mul3A_132 = arith.mulf %select_n3A_131, %select_n3A_131 : vector<128x128xf32>
      %reduce_sum3A_133 = arith.constant dense<0.000000e+00> : vector<128xf32>
      %reduce_sum3A_134 = vector.multi_reduction <add>, %mul3A_132, %reduce_sum3A_133 [0] : vector<128x128xf32> to vector<128xf32>
      %broadcast_in_dim3A_135 = vector.shape_cast %reduce_sum3A_134 : vector<128xf32> to vector<1x128xf32>
      %sqrt3A = math.sqrt %broadcast_in_dim3A_135 : vector<1x128xf32>
      %max3A_136 = arith.constant 9.99999996E-13 : f32
      %max3A_137 = vector.broadcast %max3A_136 : f32 to vector<1x128xf32>
      %max3A_138 = arith.maximumf %sqrt3A, %max3A_137 : vector<1x128xf32>
      %div3A = vector.broadcast %max3A_138 : vector<1x128xf32> to vector<128x128xf32>
      %div3A_139 = arith.divf %select_n3A_131, %div3A : vector<128x128xf32>
      %mul3A_140 = arith.mulf %add3A_90, %add3A_90 : vector<1x128xf32>
      %eq3A_141 = vector.broadcast %get3A_114 : vector<1x256xf32> to vector<128x256xf32>
      %eq3A_142 = vector.broadcast %get3A_111 : vector<128x1xf32> to vector<128x256xf32>
      %eq3A_143 = arith.cmpf oeq, %eq3A_141, %eq3A_142 : vector<128x256xf32>
      %and3A_144 = vector.broadcast %eq3A_119 : vector<1x256xi1> to vector<128x256xi1>
      %and3A_145 = arith.andi %and3A_144, %eq3A_143 : vector<128x256xi1>
      %convert_element_type3A_146 = arith.extui %and3A_145 : vector<128x256xi1> to vector<128x256xi32>
      %convert_element_type3A_147 = arith.sitofp %convert_element_type3A_146 : vector<128x256xi32> to vector<128x256xf32>
      %reduce_sum3A_148 = arith.constant dense<0.000000e+00> : vector<128xf32>
      %reduce_sum3A_149 = vector.multi_reduction <add>, %convert_element_type3A_147, %reduce_sum3A_148 [1] : vector<128x256xf32> to vector<128xf32>
      %broadcast_in_dim3A_150 = vector.shape_cast %reduce_sum3A_149 : vector<128xf32> to vector<128x1xf32>
      %jit3A_151 = arith.constant 0.000000e+00 : f32
      %broadcast_in_dim3A_152 = vector.broadcast %jit3A_151 : f32 to vector<128x1xf32>
      %select_n3A_153 = arith.select %and3A, %broadcast_in_dim3A_150, %broadcast_in_dim3A_152 : vector<128x1xi1>, vector<128x1xf32>
      %reduce_max3A = vector.shape_cast %select_n3A_153 : vector<128x1xf32> to vector<1x128x1xf32>
      %reduce_max3A_154 = arith.constant dense<0xFF800000> : vector<1xf32>
      %reduce_max3A_155 = vector.multi_reduction <maximumf>, %reduce_max3A, %reduce_max3A_154 [1, 2] : vector<1x128x1xf32> to vector<1xf32>
      %reduce_max3A_156 = vector.shape_cast %reduce_max3A_155 : vector<1xf32> to vector<1x1x1xf32>
      %reduce_max3A_157 = vector.extract %reduce_max3A_156[0, 0, 0] : f32 from vector<1x1x1xf32>
      %dot_general3A_158 = arith.constant dense<0.000000e+00> : vector<128x128xf32>
      %dot_general3A_159 = tpu.matmul %convert_element_type3A_147, %mul3A, %dot_general3A_158 {dimension_numbers = #tpu.dot_dimension_numbers<[1], [0], [0], [1], [0, 0, 1, 1], [], []>, transpose_lhs_hint = false} : vector<128x256xf32>, vector<256x128xf32>, vector<128x128xf32> -> vector<128x128xf32>
      %sub3A = vector.broadcast %reduce_max3A_157 : f32 to vector<128x1xf32>
      %sub3A_160 = arith.subf %sub3A, %broadcast_in_dim3A_150 : vector<128x1xf32>
      %mul3A_161 = vector.broadcast %sub3A_160 : vector<128x1xf32> to vector<128x128xf32>
      %mul3A_162 = vector.broadcast %mul3A_140 : vector<1x128xf32> to vector<128x128xf32>
      %mul3A_163 = arith.mulf %mul3A_161, %mul3A_162 : vector<128x128xf32>
      %add3A_164 = arith.addf %dot_general3A_159, %mul3A_163 : vector<128x128xf32>
      %sqrt3A_165 = math.sqrt %add3A_164 : vector<128x128xf32>
      %max3A_166 = arith.constant 9.99999996E-13 : f32
      %max3A_167 = vector.broadcast %max3A_166 : f32 to vector<128x128xf32>
      %max3A_168 = arith.maximumf %sqrt3A_165, %max3A_167 : vector<128x128xf32>
      %div3A_169 = arith.divf %div3A_139, %max3A_168 : vector<128x128xf32>
      %dot_general3A_170 = arith.constant dense<0.000000e+00> : vector<128x256xf32>
      %dot_general3A_171 = tpu.matmul %div3A_169, %add3A_84, %dot_general3A_170 {dimension_numbers = #tpu.dot_dimension_numbers<[1], [1], [0], [0], [0, 0, 1, 0], [], []>, transpose_lhs_hint = false} : vector<128x128xf32>, vector<256x128xf32>, vector<128x256xf32> -> vector<128x256xf32>
      %div3A_172 = arith.constant 1.000000e-01 : f32
      %div3A_173 = vector.broadcast %div3A_172 : f32 to vector<128x256xf32>
      %div3A_174 = arith.divf %dot_general3A_171, %div3A_173 : vector<128x256xf32>
      %mul3A_175 = vector.broadcast %add3A_90 : vector<1x128xf32> to vector<128x128xf32>
      %mul3A_176 = arith.mulf %div3A_169, %mul3A_175 : vector<128x128xf32>
      %reduce_sum3A_177 = arith.constant dense<0.000000e+00> : vector<128xf32>
      %reduce_sum3A_178 = vector.multi_reduction <add>, %mul3A_176, %reduce_sum3A_177 [1] : vector<128x128xf32> to vector<128xf32>
      %broadcast_in_dim3A_179 = vector.shape_cast %reduce_sum3A_178 : vector<128xf32> to vector<128x1xf32>
      %div3A_180 = arith.constant 1.000000e-01 : f32
      %div3A_181 = vector.broadcast %div3A_180 : f32 to vector<128x1xf32>
      %div3A_182 = arith.divf %broadcast_in_dim3A_179, %div3A_181 : vector<128x1xf32>
      %eq3A_183 = vector.broadcast %get3A_114 : vector<1x256xf32> to vector<128x256xf32>
      %eq3A_184 = vector.broadcast %get3A_108 : vector<128x1xf32> to vector<128x256xf32>
      %eq3A_185 = arith.cmpf oeq, %eq3A_183, %eq3A_184 : vector<128x256xf32>
      %and3A_186 = vector.broadcast %eq3A_119 : vector<1x256xi1> to vector<128x256xi1>
      %and3A_187 = arith.andi %and3A_186, %eq3A_185 : vector<128x256xi1>
      %eq3A_188 = vector.broadcast %get3A_102 : vector<1x128xf32> to vector<128x128xf32>
      %eq3A_189 = vector.broadcast %get3A_111 : vector<128x1xf32> to vector<128x128xf32>
      %eq3A_190 = arith.cmpf oeq, %eq3A_188, %eq3A_189 : vector<128x128xf32>
      %and3A_191 = vector.broadcast %and3A_118 : vector<1x128xi1> to vector<128x128xi1>
      %and3A_192 = arith.andi %and3A_191, %eq3A_190 : vector<128x128xi1>
      %convert_element_type3A_193 = arith.extui %and3A_187 : vector<128x256xi1> to vector<128x256xi32>
      %convert_element_type3A_194 = arith.sitofp %convert_element_type3A_193 : vector<128x256xi32> to vector<128x256xf32>
      %convert_element_type3A_195 = arith.extui %and3A_192 : vector<128x128xi1> to vector<128x128xi32>
      %convert_element_type3A_196 = arith.sitofp %convert_element_type3A_195 : vector<128x128xi32> to vector<128x128xf32>
      %reduce_sum3A_197 = arith.constant dense<0.000000e+00> : vector<128xf32>
      %reduce_sum3A_198 = vector.multi_reduction <add>, %convert_element_type3A_194, %reduce_sum3A_197 [1] : vector<128x256xf32> to vector<128xf32>
      %broadcast_in_dim3A_199 = vector.shape_cast %reduce_sum3A_198 : vector<128xf32> to vector<128x1xf32>
      %reduce_sum3A_200 = arith.constant dense<0.000000e+00> : vector<128xf32>
      %reduce_sum3A_201 = vector.multi_reduction <add>, %convert_element_type3A_196, %reduce_sum3A_200 [1] : vector<128x128xf32> to vector<128xf32>
      %broadcast_in_dim3A_202 = vector.shape_cast %reduce_sum3A_201 : vector<128xf32> to vector<128x1xf32>
      %add3A_203 = arith.addf %broadcast_in_dim3A_199, %broadcast_in_dim3A_202 : vector<128x1xf32>
      %jit3A_204 = arith.constant 0.000000e+00 : f32
      %broadcast_in_dim3A_205 = vector.broadcast %jit3A_204 : f32 to vector<128x1xf32>
      %select_n3A_206 = arith.select %and3A, %add3A_203, %broadcast_in_dim3A_205 : vector<128x1xi1>, vector<128x1xf32>
      %reduce_max3A_207 = vector.shape_cast %select_n3A_206 : vector<128x1xf32> to vector<1x128x1xf32>
      %reduce_max3A_208 = arith.constant dense<0xFF800000> : vector<1xf32>
      %reduce_max3A_209 = vector.multi_reduction <maximumf>, %reduce_max3A_207, %reduce_max3A_208 [1, 2] : vector<1x128x1xf32> to vector<1xf32>
      %reduce_max3A_210 = vector.shape_cast %reduce_max3A_209 : vector<1xf32> to vector<1x1x1xf32>
      %reduce_max3A_211 = vector.extract %reduce_max3A_210[0, 0, 0] : f32 from vector<1x1x1xf32>
      %dot_general3A_212 = arith.constant dense<0.000000e+00> : vector<128x128xf32>
      %dot_general3A_213 = tpu.matmul %convert_element_type3A_194, %mul3A, %dot_general3A_212 {dimension_numbers = #tpu.dot_dimension_numbers<[1], [0], [0], [1], [0, 0, 1, 1], [], []>, transpose_lhs_hint = false} : vector<128x256xf32>, vector<256x128xf32>, vector<128x128xf32> -> vector<128x128xf32>
      %dot_general3A_214 = arith.constant dense<0.000000e+00> : vector<128x128xf32>
      %dot_general3A_215 = tpu.matmul %convert_element_type3A_196, %mul3A_126, %dot_general3A_214 {dimension_numbers = #tpu.dot_dimension_numbers<[1], [0], [0], [1], [0, 0, 1, 1], [], []>, transpose_lhs_hint = false} : vector<128x128xf32>, vector<128x128xf32>, vector<128x128xf32> -> vector<128x128xf32>
      %add3A_216 = arith.addf %dot_general3A_213, %dot_general3A_215 : vector<128x128xf32>
      %sub3A_217 = vector.broadcast %reduce_max3A_211 : f32 to vector<128x1xf32>
      %sub3A_218 = arith.subf %sub3A_217, %add3A_203 : vector<128x1xf32>
      %mul3A_219 = vector.broadcast %sub3A_218 : vector<128x1xf32> to vector<128x128xf32>
      %mul3A_220 = vector.broadcast %mul3A_140 : vector<1x128xf32> to vector<128x128xf32>
      %mul3A_221 = arith.mulf %mul3A_219, %mul3A_220 : vector<128x128xf32>
      %add3A_222 = arith.addf %add3A_216, %mul3A_221 : vector<128x128xf32>
      %sqrt3A_223 = math.sqrt %add3A_222 : vector<128x128xf32>
      %max3A_224 = arith.constant 9.99999996E-13 : f32
      %max3A_225 = vector.broadcast %max3A_224 : f32 to vector<128x128xf32>
      %max3A_226 = arith.maximumf %sqrt3A_223, %max3A_225 : vector<128x128xf32>
      %div3A_227 = arith.divf %div3A_139, %max3A_226 : vector<128x128xf32>
      %dot_general3A_228 = arith.constant dense<0.000000e+00> : vector<128x256xf32>
      %dot_general3A_229 = tpu.matmul %div3A_227, %add3A_84, %dot_general3A_228 {dimension_numbers = #tpu.dot_dimension_numbers<[1], [1], [0], [0], [0, 0, 1, 0], [], []>, transpose_lhs_hint = false} : vector<128x128xf32>, vector<256x128xf32>, vector<128x256xf32> -> vector<128x256xf32>
      %div3A_230 = arith.constant 1.000000e-01 : f32
      %div3A_231 = vector.broadcast %div3A_230 : f32 to vector<128x256xf32>
      %div3A_232 = arith.divf %dot_general3A_229, %div3A_231 : vector<128x256xf32>
      %dot_general3A_233 = arith.constant dense<0.000000e+00> : vector<128x128xf32>
      %dot_general3A_234 = tpu.matmul %div3A_227, %add3A_80, %dot_general3A_233 {dimension_numbers = #tpu.dot_dimension_numbers<[1], [1], [0], [0], [0, 0, 1, 0], [], []>, transpose_lhs_hint = false} : vector<128x128xf32>, vector<128x128xf32>, vector<128x128xf32> -> vector<128x128xf32>
      %div3A_235 = arith.constant 1.000000e-01 : f32
      %div3A_236 = vector.broadcast %div3A_235 : f32 to vector<128x128xf32>
      %div3A_237 = arith.divf %dot_general3A_234, %div3A_236 : vector<128x128xf32>
      %jit3A_238 = arith.constant -1.000000e+30 : f32
      %broadcast_in_dim3A_239 = vector.broadcast %jit3A_238 : f32 to vector<128x256xf32>
      %select_n3A_240 = arith.select %and3A_187, %div3A_232, %broadcast_in_dim3A_239 : vector<128x256xi1>, vector<128x256xf32>
      %jit3A_241 = arith.constant -1.000000e+30 : f32
      %broadcast_in_dim3A_242 = vector.broadcast %jit3A_241 : f32 to vector<128x128xf32>
      %select_n3A_243 = arith.select %and3A_192, %div3A_237, %broadcast_in_dim3A_242 : vector<128x128xi1>, vector<128x128xf32>
      %lt3A_244 = vector.broadcast %reduce_max3A_211 : f32 to vector<128x1xf32>
      %lt3A_245 = arith.cmpf olt, %add3A_203, %lt3A_244 : vector<128x1xf32>
      %reduce_max3A_246 = arith.constant dense<0xFF800000> : vector<128xf32>
      %reduce_max3A_247 = vector.multi_reduction <maximumf>, %select_n3A_240, %reduce_max3A_246 [1] : vector<128x256xf32> to vector<128xf32>
      %broadcast_in_dim3A_248 = vector.shape_cast %reduce_max3A_247 : vector<128xf32> to vector<128x1xf32>
      %reduce_max3A_249 = arith.constant dense<0xFF800000> : vector<128xf32>
      %reduce_max3A_250 = vector.multi_reduction <maximumf>, %select_n3A_243, %reduce_max3A_249 [1] : vector<128x128xf32> to vector<128xf32>
      %broadcast_in_dim3A_251 = vector.shape_cast %reduce_max3A_250 : vector<128xf32> to vector<128x1xf32>
      %max3A_252 = arith.maximumf %broadcast_in_dim3A_248, %broadcast_in_dim3A_251 : vector<128x1xf32>
      %jit3A_253 = arith.constant 0.000000e+00 : f32
      %jit3A_254 = arith.constant -1.000000e+30 : f32
      %broadcast_in_dim3A_255 = vector.broadcast %jit3A_253 : f32 to vector<128x1xf32>
      %broadcast_in_dim3A_256 = vector.broadcast %jit3A_254 : f32 to vector<128x1xf32>
      %select_n3A_257 = arith.select %lt3A_245, %broadcast_in_dim3A_255, %broadcast_in_dim3A_256 : vector<128x1xi1>, vector<128x1xf32>
      %max3A_258 = arith.maximumf %max3A_252, %select_n3A_257 : vector<128x1xf32>
      %sub3A_259 = vector.broadcast %max3A_258 : vector<128x1xf32> to vector<128x256xf32>
      %sub3A_260 = arith.subf %select_n3A_240, %sub3A_259 : vector<128x256xf32>
      %exp3A = math.exp %sub3A_260 : vector<128x256xf32>
      %jit3A_261 = arith.constant 0.000000e+00 : f32
      %broadcast_in_dim3A_262 = vector.broadcast %jit3A_261 : f32 to vector<128x256xf32>
      %select_n3A_263 = arith.select %and3A_187, %exp3A, %broadcast_in_dim3A_262 : vector<128x256xi1>, vector<128x256xf32>
      %sub3A_264 = vector.broadcast %max3A_258 : vector<128x1xf32> to vector<128x128xf32>
      %sub3A_265 = arith.subf %select_n3A_243, %sub3A_264 : vector<128x128xf32>
      %exp3A_266 = math.exp %sub3A_265 : vector<128x128xf32>
      %jit3A_267 = arith.constant 0.000000e+00 : f32
      %broadcast_in_dim3A_268 = vector.broadcast %jit3A_267 : f32 to vector<128x128xf32>
      %select_n3A_269 = arith.select %and3A_192, %exp3A_266, %broadcast_in_dim3A_268 : vector<128x128xi1>, vector<128x128xf32>
      %reduce_sum3A_270 = arith.constant dense<0.000000e+00> : vector<128xf32>
      %reduce_sum3A_271 = vector.multi_reduction <add>, %select_n3A_263, %reduce_sum3A_270 [1] : vector<128x256xf32> to vector<128xf32>
      %broadcast_in_dim3A_272 = vector.shape_cast %reduce_sum3A_271 : vector<128xf32> to vector<128x1xf32>
      %reduce_sum3A_273 = arith.constant dense<0.000000e+00> : vector<128xf32>
      %reduce_sum3A_274 = vector.multi_reduction <add>, %select_n3A_269, %reduce_sum3A_273 [1] : vector<128x128xf32> to vector<128xf32>
      %broadcast_in_dim3A_275 = vector.shape_cast %reduce_sum3A_274 : vector<128xf32> to vector<128x1xf32>
      %add3A_276 = arith.addf %broadcast_in_dim3A_272, %broadcast_in_dim3A_275 : vector<128x1xf32>
      %sub3A_277 = vector.broadcast %reduce_max3A_211 : f32 to vector<128x1xf32>
      %sub3A_278 = arith.subf %sub3A_277, %add3A_203 : vector<128x1xf32>
      %neg3A = arith.constant 0.000000e+00 : f32
      %neg3A_279 = vector.broadcast %neg3A : f32 to vector<128x1xf32>
      %neg3A_280 = arith.subf %neg3A_279, %max3A_258 : vector<128x1xf32>
      %exp3A_281 = math.exp %neg3A_280 : vector<128x1xf32>
      %mul3A_282 = arith.mulf %sub3A_278, %exp3A_281 : vector<128x1xf32>
      %add3A_283 = arith.addf %add3A_276, %mul3A_282 : vector<128x1xf32>
      %log3A = math.log %add3A_283 : vector<128x1xf32>
      %jit3A_284 = arith.constant 0.000000e+00 : f32
      %broadcast_in_dim3A_285 = vector.broadcast %jit3A_284 : f32 to vector<128x256xf32>
      %select_n3A_286 = arith.select %and3A_145, %div3A_174, %broadcast_in_dim3A_285 : vector<128x256xi1>, vector<128x256xf32>
      %reduce_sum3A_287 = arith.constant dense<0.000000e+00> : vector<128xf32>
      %reduce_sum3A_288 = vector.multi_reduction <add>, %select_n3A_286, %reduce_sum3A_287 [1] : vector<128x256xf32> to vector<128xf32>
      %broadcast_in_dim3A_289 = vector.shape_cast %reduce_sum3A_288 : vector<128xf32> to vector<128x1xf32>
      %sub3A_290 = vector.broadcast %reduce_max3A_157 : f32 to vector<128x1xf32>
      %sub3A_291 = arith.subf %sub3A_290, %broadcast_in_dim3A_150 : vector<128x1xf32>
      %mul3A_292 = arith.mulf %sub3A_291, %div3A_182 : vector<128x1xf32>
      %add3A_293 = arith.addf %broadcast_in_dim3A_289, %mul3A_292 : vector<128x1xf32>
      %mul3A_294 = vector.broadcast %reduce_max3A_157 : f32 to vector<128x1xf32>
      %mul3A_295 = arith.mulf %mul3A_294, %log3A : vector<128x1xf32>
      %sub3A_296 = arith.subf %add3A_293, %mul3A_295 : vector<128x1xf32>
      %div3A_297 = vector.broadcast %reduce_max3A_157 : f32 to vector<128x1xf32>
      %div3A_298 = arith.divf %sub3A_296, %div3A_297 : vector<128x1xf32>
      %mul3A_299 = arith.constant -1.000000e-01 : f32
      %mul3A_300 = vector.broadcast %mul3A_299 : f32 to vector<128x1xf32>
      %mul3A_301 = arith.mulf %mul3A_300, %div3A_298 : vector<128x1xf32>
      %jit3A_302 = arith.constant 0.000000e+00 : f32
      %broadcast_in_dim3A_303 = vector.broadcast %jit3A_302 : f32 to vector<128x1xf32>
      %select_n3A_304 = arith.select %and3A, %mul3A_301, %broadcast_in_dim3A_303 : vector<128x1xi1>, vector<128x1xf32>
      %reduce_sum3A_305 = vector.shape_cast %select_n3A_304 : vector<128x1xf32> to vector<1x128x1xf32>
      %reduce_sum3A_306 = arith.constant dense<0.000000e+00> : vector<1xf32>
      %reduce_sum3A_307 = vector.multi_reduction <add>, %reduce_sum3A_305, %reduce_sum3A_306 [1, 2] : vector<1x128x1xf32> to vector<1xf32>
      %reduce_sum3A_308 = vector.shape_cast %reduce_sum3A_307 : vector<1xf32> to vector<1x1x1xf32>
      %reduce_sum3A_309 = vector.extract %reduce_sum3A_308[0, 0, 0] : f32 from vector<1x1x1xf32>
      %div3A_310 = arith.divf %reduce_sum3A_309, %reduce_sum3A_125 : f32
      %broadcast_in_dim3A_311 = vector.broadcast %div3A_310 : f32 to vector<1x128xf32>
      %swap3A_312 = arith.constant 0 : index
      %swap3A_313 = arith.constant 0 : index
      %swap3A_314 = vector.load %arg15[%swap3A_312, %swap3A_313] : memref<1x128xf32, #tpu.memory_space<vmem>>, vector<1x128xf32>
      tpu.vector_store %arg15[%swap3A_312, %swap3A_313], %broadcast_in_dim3A_311 {strides = array<i32>} : memref<1x128xf32, #tpu.memory_space<vmem>>, vector<1x128xf32>,
    } else {
    }
    return
  }
  func.func @transform_0(%arg0: i32) -> (i32, i32) {
    %c0_i32 = arith.constant 0 : i32
    %c0_i32_0 = arith.constant 0 : i32
    return %c0_i32, %arg0 : i32, i32
  }
  func.func @transform_1(%arg0: i32) -> (i32, i32) {
    %c0_i32 = arith.constant 0 : i32
    %c0_i32_0 = arith.constant 0 : i32
    return %c0_i32, %arg0 : i32, i32
  }
  func.func @transform_2(%arg0: i32) -> (i32, i32) {
    %c0_i32 = arith.constant 0 : i32
    %c0_i32_0 = arith.constant 0 : i32
    return %arg0, %c0_i32 : i32, i32
  }
  func.func @transform_3(%arg0: i32) -> (i32, i32) {
    %c0_i32 = arith.constant 0 : i32
    %c0_i32_0 = arith.constant 0 : i32
    %c0_i32_1 = arith.constant 0 : i32
    return %c0_i32, %c0_i32_0 : i32, i32
  }
  func.func @transform_4(%arg0: i32) -> (i32, i32) {
    %c0_i32 = arith.constant 0 : i32
    %c0_i32_0 = arith.constant 0 : i32
    %c0_i32_1 = arith.constant 0 : i32
    return %c0_i32, %c0_i32_0 : i32, i32
  }
  func.func @transform_5(%arg0: i32) -> (i32, i32) {
    %c0_i32 = arith.constant 0 : i32
    %c0_i32_0 = arith.constant 0 : i32
    %c0_i32_1 = arith.constant 0 : i32
    return %c0_i32, %c0_i32_0 : i32, i32
  }
  func.func @transform_6(%arg0: i32) -> (i32, i32) {
    %c0_i32 = arith.constant 0 : i32
    %c0_i32_0 = arith.constant 0 : i32
    %c0_i32_1 = arith.constant 0 : i32
    return %c0_i32, %c0_i32_0 : i32, i32
  }
  func.func @transform_7(%arg0: i32) -> (i32, i32) {
    %c0_i32 = arith.constant 0 : i32
    %c0_i32_0 = arith.constant 0 : i32
    %c0_i32_1 = arith.constant 0 : i32
    return %c0_i32, %c0_i32_0 : i32, i32
  }
  func.func @transform_8(%arg0: i32) -> (i32, i32) {
    %c0_i32 = arith.constant 0 : i32
    %c0_i32_0 = arith.constant 0 : i32
    %c0_i32_1 = arith.constant 0 : i32
    return %c0_i32, %c0_i32_0 : i32, i32
  }
  func.func @transform_9(%arg0: i32) -> (i32, i32) {
    %c0_i32 = arith.constant 0 : i32
    %c0_i32_0 = arith.constant 0 : i32
    %c0_i32_1 = arith.constant 0 : i32
    return %c0_i32, %c0_i32_0 : i32, i32
  }
  func.func @transform_10(%arg0: i32) -> (i32, i32) {
    %c0_i32 = arith.constant 0 : i32
    %c0_i32_0 = arith.constant 0 : i32
    %c0_i32_1 = arith.constant 0 : i32
    return %c0_i32, %c0_i32_0 : i32, i32
  }
  func.func @transform_11(%arg0: i32) -> (i32, i32) {
    %c0_i32 = arith.constant 0 : i32
    %c0_i32_0 = arith.constant 0 : i32
    %c0_i32_1 = arith.constant 0 : i32
    return %c0_i32, %c0_i32_0 : i32, i32
  }
  func.func @transform_12(%arg0: i32) -> (i32, i32) {
    %c0_i32 = arith.constant 0 : i32
    %c0_i32_0 = arith.constant 0 : i32
    %c0_i32_1 = arith.constant 0 : i32
    return %c0_i32, %c0_i32_0 : i32, i32
  }
  func.func @transform_13(%arg0: i32) -> (i32, i32) {
    %c0_i32 = arith.constant 0 : i32
    %c0_i32_0 = arith.constant 0 : i32
    %c0_i32_1 = arith.constant 0 : i32
    return %c0_i32, %c0_i32_0 : i32, i32
  }
  func.func @transform_14(%arg0: i32) -> (i32, i32) {
    %c0_i32 = arith.constant 0 : i32
    %c0_i32_0 = arith.constant 0 : i32
    %c0_i32_1 = arith.constant 0 : i32
    return %c0_i32, %c0_i32_0 : i32, i32
  }
}

</mosaic_0001>

<sc_bundles>
// kernel: kernel.4.cloned.1.call-start
scs
__scs_entry_jumppad:
0x0: {  	(pc) =	sbr.rel $0x88, $3  }
0x1: {  	(tag) =	ssettag $0x0;
	lr =	simm.s32 $0x1  }
0x2: {  	[smem:$0x3F96] =	sst lr;
	_ =	strace $0xD0000000  }
0x3: {  	_ = 	snop  }
0x4: {  	_ = 	snop  }
0x5: {  	_ = 	snop  }
0x6: {  	_ = 	snop  }
0x7: {  	_ = 	snop  }
__scs_overlays_trampoline_lowered:
0x8: {  	[smem:$0x3FA5] =	sst s0  }
0x9: {  	[smem:$0x3FA6] =	sst s1  }
0xa: {  	[smem:$0x3FA7] =	sst s2  }
0xb: {  	[smem:$0x3FA8] =	sst s3  }
0xc: {  	[smem:$0x3FA9] =	sst s4  }
0xd: {  	[smem:$0x3FAA] =	sst s5  }
0xe: {  	[smem:$0x3FAB] =	sst s6  }
0xf: {  	[smem:$0x3FAC] =	sst s7  }
0x10: {  	[smem:$0x3FAD] =	sst s8  }
0x11: {  	[smem:$0x3FAE] =	sst s9;
	s0 =	simm.s32 @!p0 $0x0  }
0x12: {  	s1 =	sld [smem:$0x3F94];
	s0 =	simm.s32 @p0 $0x1  }
0x13: {  	[smem:$0x3FAF] =	sst s0;
	s0 =	simm.s32 @!p1 $0x0  }
0x14: {  	s2 =	sld [smem:$0x3F93];
	s0 =	simm.s32 @p1 $0x1  }
0x15: {  	[smem:$0x3FB0] =	sst s0;
	s0 =	simm.s32 @!p2 $0x0  }
0x16: {  	s3 =	sld [smem:$0x3FDB];
	s0 =	simm.s32 @p2 $0x1  }
0x17: {  	s4 =	simm.s32 $0x1BF5;
	[smem:$0x3FB2] =	sst s0  }
0x18: {  	s0 =	sld [smem:$0x3F95];
	_ =	swait.ge [sflag:s4], $0x0  }
0x19: {  	s7 =	sld [smem:$0x3F96]  }
0x1a: {  	s8 =	sadd.s32 $0xFFFFE003, lr  }
0x1b: {  	s9 =	sadd.s32 $0xFFFFFEF7, lr;
	s5 =	simm.s32 $0xFFFFFFFF;
	p2 =	slt.u32 s8, $0xFFFFF086  }
0x1c: {  	p1 =	slt.u32 s9, $0xF7A;
	s5 =	simm.s32 @!p2 $0x0  }
0x1d: {  	s5 =	simm.s32 @p1 $0x1;
	p0 =	seq.s32 s7, s2  }
0x1e: {  	s7 =	smul.u32 @!p0 $0xF7A, s2;
	p2 =	seq.s32 @!p0 s5, $0x0  }
0x1f: {  	s9 =	smul.u32 $0xF7A, s1;
	s8 =	simm.s32 @!p0 $0x1BF5;
	p2 =	por !p2, p0  }
0x20: {  	[sflag:s8] =	ssyncset.s32 @!p0 $0xFFFFF086;
	s6 =	sadd.s32 @!p0 s3, s7;
	s7 =	simm.s32 @!p0 $0x108  }
0x21: {  	s3 =	sadd.s32 s3, s9;
	s6 =	sadd.s32 @!p0 $0x88, s6;
	s7 =	simm.s32 @p2 $0x1082  }
0x22: {  	[simem:s7], [sflag:s8] =	dma.local @!p0 [hbm:s6], $0xF7A  }
0x23: {  	s9 =	sor.u32 $0xD0000000, s2;
	s6 =	simm.s32 $0x108;
	_ =	swait.ge @!p0 [sflag:s8], $0x0  }
0x24: {  	s3 =	sadd.s32 $0x88, s3;
	s6 =	simm.s32 @!p1 $0x1082;
	[sflag:s4] =	ssyncset.s32 $0xFFFFF086  }
0x25: {  	[simem:s6], [sflag:s4] =	dma.local [hbm:s3], $0xF7A  }
0x26: {  	[smem:$0x3F96] =	sst s1;
	(tag) =	ssettag s2;
	_ =	strace s9  }
0x27: {  	s1 =	sld [smem:$0x3FA6]  }
0x28: {  	s2 =	sld [smem:$0x3FA7]  }
0x29: {  	s4 =	sld [smem:$0x3FA9]  }
0x2a: {  	p0 =	seq.s32 s5, $0x0;
	s5 =	sld [smem:$0x3FAA]  }
0x2b: {  	s6 =	sld [smem:$0x3FAB]  }
0x2c: {  	s7 =	sld [smem:$0x3FAC]  }
0x2d: {  	s3 =	simm.s32 $0x108;
	s8 =	sld [smem:$0x3FAD]  }
0x2e: {  	s3 =	simm.s32 @!p0 $0x1082;
	s9 =	sld [smem:$0x3FAE]  }
0x2f: {  	lr =	sadd.s32 s0, s3;
	s0 =	sld [smem:$0x3FA5]  }
0x30: {  	s3 =	sld [smem:$0x3FA8]  }
0x31: {  	[smem:$0x3FB1] =	sst s10  }
0x32: {  	s10 =	sld [smem:$0x3FAF];
	_ =	sdelay $0x3  }
0x33: {  	p0 =	seq.s32 s10, $0x1;
	s10 =	sld [smem:$0x3FB1];
	_ =	sdelay $0x3  }
0x34: {  	[smem:$0x3FB1] =	sst s10  }
0x35: {  	s10 =	sld [smem:$0x3FB0];
	_ =	sdelay $0x3  }
0x36: {  	p1 =	seq.s32 s10, $0x1;
	s10 =	sld [smem:$0x3FB1];
	_ =	sdelay $0x3  }
0x37: {  	[smem:$0x3FB1] =	sst s10  }
0x38: {  	s10 =	sld [smem:$0x3FB2]  }
0x39: {  	_ = 	snop;
	(pc) =	sbr.ind lr, $3  }
0x3a: {  	_ = 	snop  }
0x3b: {  	_ = 	snop  }
0x3c: {  	p2 =	seq.s32 s10, $0x1;
	s10 =	sld [smem:$0x3FB1]  }
0x3d: {  	_ =	shalt  }
0x3e: {  	_ =	shalt  }
0x3f: {  	_ =	shalt  }
0x40: {  	_ =	shalt  }
0x41: {  	_ =	shalt  }
0x42: {  	_ =	shalt  }
0x43: {  	_ =	shalt  }
0x44: {  	_ =	shalt  }
0x45: {  	_ =	shalt  }
0x46: {  	_ =	shalt  }
0x47: {  	_ =	shalt  }
0x48: {  	_ =	shalt  }
0x49: {  	_ =	shalt  }
0x4a: {  	_ =	shalt  }
0x4b: {  	_ =	shalt  }
0x4c: {  	_ =	shalt  }
0x4d: {  	_ =	shalt  }
0x4e: {  	_ =	shalt  }
0x4f: {  	_ =	shalt  }
0x50: {  	_ =	shalt  }
0x51: {  	_ =	shalt  }
0x52: {  	_ =	shalt  }
0x53: {  	_ =	shalt  }
0x54: {  	_ =	shalt  }
0x55: {  	_ =	shalt  }
0x56: {  	_ =	shalt  }
0x57: {  	_ =	shalt  }
0x58: {  	_ =	shalt  }
0x59: {  	_ =	shalt  }
0x5a: {  	_ =	shalt  }
0x5b: {  	_ =	shalt  }
0x5c: {  	_ =	shalt  }
0x5d: {  	_ =	shalt  }
0x5e: {  	_ =	shalt  }
0x5f: {  	_ =	shalt  }
0x60: {  	_ =	shalt  }
0x61: {  	_ =	shalt  }
0x62: {  	_ =	shalt  }
0x63: {  	_ =	shalt  }
0x64: {  	_ =	shalt  }
0x65: {  	_ =	shalt  }
0x66: {  	_ =	shalt  }
0x67: {  	_ =	shalt  }
0x68: {  	_ =	shalt  }
0x69: {  	_ =	shalt  }
0x6a: {  	_ =	shalt  }
0x6b: {  	_ =	shalt  }
0x6c: {  	_ =	shalt  }
0x6d: {  	_ =	shalt  }
0x6e: {  	_ =	shalt  }
0x6f: {  	_ =	shalt  }
0x70: {  	_ =	shalt  }
0x71: {  	_ =	shalt  }
0x72: {  	_ =	shalt  }
0x73: {  	_ =	shalt  }
0x74: {  	_ =	shalt  }
0x75: {  	_ =	shalt  }
0x76: {  	_ =	shalt  }
0x77: {  	_ =	shalt  }
0x78: {  	_ =	shalt  }
0x79: {  	_ =	shalt  }
0x7a: {  	_ =	shalt  }
0x7b: {  	_ =	shalt  }
0x7c: {  	_ =	shalt  }
0x7d: {  	_ =	shalt  }
0x7e: {  	_ =	shalt  }
0x7f: {  	_ =	shalt  }
0x80: {  	_ =	shalt  }
0x81: {  	_ =	shalt  }
0x82: {  	_ =	shalt  }
0x83: {  	_ =	shalt  }
0x84: {  	_ =	shalt  }
0x85: {  	_ =	shalt  }
0x86: {  	_ =	shalt  }
0x87: {  	_ =	shalt  }
.Lfunc_end0:
.L_simem_size_0:
called_computation_lowered:
.L_overlay_start_0:
0x88: {  	s2 =	sld [smem:$0x3FD9]  }
0x89: {  	s3 =	sld [smem:$0x3FFE];
	_ =	sdelay $0x1  }
0x8a: {  	s1 =	srdreg.scid  }
0x8b: {  	s0 =	sand.u32 $0x1, s1  }
0x8c: {  	s16 =	sshll.u32 s0, $0xA;
	s2 =	sadd.s32 s3, s2  }
0x8d: {  	s2 =	sadd.s32 s2, s16  }
0x8e: {  	[smem:$0x3FBD] =	sst s2  }
0x8f: {  	_ = 	snop  }
0x90: {  	(tm) =	ssettm $0x1  }
0x91: {  	s17 =	sld [smem:$0x3FFB];
	_ =	sdelay $0x3  }
0x92: {  	_ =	strace s17  }
0x93: {  	s2 =	sld [smem:$0x3FFC];
	_ =	sdelay $0x3  }
0x94: {  	_ =	strace s2  }
0x95: {  	s2 =	sld [smem:$0x3FFD];
	_ =	sdelay $0x3  }
0x96: {  	_ =	strace s2  }
0x97: {  	_ =	strace $0x8FFFFFFF  }
0x98: {  	s18 =	sld [smem:$0x3FDB];
	_ =	sdelay $0x1  }
0x99: {  	s19 =	simm.s32 $_scs_section_size  }
0x9a: {  	s4 =	simm.s32 $_size__tile_overlayer_lowered;
	s5 =	simm.s32 $_tile_overlayer_lowered  }
0x9b: {  	s22 =	simm.s32 $0x1BFF;
	s21 =	sshll.u32 s5, $0x1;
	s2 =	sadd.s32 s19, s18  }
0x9c: {  	s6 =	simm.s32 $0x0;
	s20 =	sshll.u32 s4, $0x1;
	s4 =	sadd.s32 s21, s2  }
0x9d: {  	[timem:s6], [sflag:s22] =	dma.local [hbm:s4], s20  }
0x9e: {  	_ =	swait.ge [sflag:s22], s20  }
0x9f: {  	s3 =	ssub.s32 $0x0, s20;
	[sflag:s22] =	ssyncset.done $0x0  }
0xa0: {  	[sflag:s22] =	ssyncadd.s32 s3;
	_ =	sdelay $0x1  }
0xa1: {  	s23 =	simm.s32 $0x1B8B  }
0xa2: {  	_ =	swait.ge [sflag:s23], $0x1  }
0xa3: {  	[sflag:s23] =	ssyncset.done $0x0  }
0xa4: {  	s25 =	simm.s32 $0x1B8E;
	s24 =	sld [smem:$0x3FFE];
	[sflag:s23] =	ssyncadd.s32 $0xFFFFFFFF  }
0xa5: {  	s26 =	simm.s32 $execute0_lowered;
	[smem:$0x3FD2] =	sst s25  }
0xa6: {  	s4 =	sshll.u32 s26, $0x1;
	_ =	strace $0x80000046;
	[dreg:$0x1] =	wrdreg $0xFFFFFFFF  }
0xa7: {  	s28 =	simm.s32 $_size_execute0_lowered;
	s2 =	sadd.s32 s2, s4;
	[dreg:$0x0] =	wrdreg $0x0  }
0xa8: {  	s4 =	sshll.u32 s28, $0x1;
	[dreg:$0x2] =	wrdreg s2  }
0xa9: {  	[dreg:$0x3] =	wrdreg s4  }
0xaa: {  	[dreg:$0x4] =	wrdreg $0xC0  }
0xab: {  	_ =	task [dreg:s6], $0x5FFFF  }
0xac: {  	[dreg:$0x1] =	wrdreg $0xFFFFFFFF  }
0xad: {  	[dreg:$0x0] =	wrdreg $0x60  }
0xae: {  	[dreg:$0x2] =	wrdreg s24  }
0xaf: {  	[dreg:$0x3] =	wrdreg $0x9  }
0xb0: {  	_ =	task.clear_ibuf [dreg:s6], $0x4FFFF;
	_ =	strace $0x90000046  }
0xb1: {  	s29 =	simm.s32 $0x9;
	_ =	strace $0x80000048  }
0xb2: {  	_ =	swait.ge [sflag:s29], $0x1  }
0xb3: {  	[sflag:s29] =	ssyncadd.s32 $0xFFFFFFFF  }
0xb4: {  	_ =	strace $0x90000048  }
0xb5: {  	_ =	sfence  }
0xb6: {  	s30 =	sld [smem:$0x0];
	_ =	sdelay $0x2  }
0xb7: {  	s31 =	sshll.u32 s1, $0xD;
	s1 =	sshrl.u32 s1, $0x2  }
0xb8: {  	s3 =	sand.u32 $0x4000, s31;
	s1 =	sadd.s32 s1, s30  }
0xb9: {  	s0 =	sor.u32 s3, s0;
	s1 =	sshll.u32 s1, $0x11  }
0xba: {  	s0 =	sor.u32 s1, s0  }
0xbb: {  	s0 =	sadd.s32 $0x8F2B, s0  }
0xbc: {  	[sflag:s0] =	ssyncadd.remote.s32 $0x1  }
0xbd: {  	_ =	sfence.sel $0xFFFF  }
0xbe: {  	[dreg:$0x0] =	wrdreg $0xFFFFFFFF;
	(pc) =	sbr.abs _section_cstart, $3  }
0xbf: {  	[dreg:$0x1] =	wrdreg $0xFFFFFFFF  }
0xc0: {  	_ =	task.clear_ibuf [dreg:s6], $0x2FFFF;
	_ =	strace $0x9FFFFFFF  }
0xc1: {  	(tm) =	ssettm $0x7FFFFFFF  }
tec
execute0_lowered:
.L_overlay_start_1:
0x0: {  	(tag) =	ssettag $0x1  }
0x1: {  	s1 =	srdreg.scid  }
0x2: {  	s0 =	stileid.u32;
	s5 =	rddreg [dreg:$0x0];
	s6 =	sand.u32 $0x1, s1  }
0x3: {  	s2 =	simm.s32 $0x0;
	s3 =	sshll.u32 s0, $0x2;
	s4 =	sshll.u32 s6, $0x1  }
0x4: {  	s7 =	simm.s32 $0x80;
	[smem:$0x7FF] =	sst s2;
	s3 =	sor.u32 s4, s3  }
0x5: {  	s1 =	rddreg [dreg:$0x1];
	_ =	strace $0x80000047;
	s9 =	sadd.s32 s3, s5  }
0x6: {  	s10 =	ssub.s32 $0x2, s6;
	s3 =	simm.s32 $0x2;
	s4 =	sadd.s32 $0x800, s9  }
0x7: {  	[tilespmem:s2], [sflag:$0x2] =	stream.linear.gather [hbm4b:s4+s2], $0x10, $0x38;
	[tilespmem:$0x100] =	vst v63  }
0x8: {  	s8 =	simm.s32 $0x1;
	s11 =	sshrl.u32 s10, $0x1;
	_ =	swait.ge [sflag:s3], $0x10  }
0x9: {  	s6 =	simm.s32 $0x10;
	s10 =	ssub.s32 s10, s11;
	[sflag:s3] =	ssyncset.done $0x0  }
0xa: {  	s5 =	sadd.s32 $0x600, s5;
	s10 =	smax.u32 s10, $0x1;
	[sflag:s3] =	ssyncadd.s32 $0xFFFFFFF0  }
0xb: {  	[tilespmem:s7], [sflag:$0x1] =	stream.indirect.gather [hbm4b:s5+s6], $0x1, s2, s6, $0xb8;
	[tilespmem:$0x100] =	vst v63  }
0xc: {  	p0 =	sne.s32 s10, $0x1;
	_ =	swait.ge [sflag:s8], $0x10  }
.Ltmp0:
0xd: {  	[sflag:s8] =	ssyncset.done $0x0;
	(pc) =	sbr.rel @!p0 .LBB2_2-.Ltmp0, $4  }
0xe: {  	s9 =	sadd.s32 $0xA00, s9;
	[sflag:s8] =	ssyncadd.s32 $0xFFFFFFF0  }
0xf: {  	[hbm4b:s9+s2] =	stream.linear.scatter [tilespmem:s7], [sflag:$0x2], $0x10, $0x38;
	[tilespmem:$0x100] =	vst v63  }
0x10: {  	_ =	swait.ge [sflag:s3], $0x10  }
0x11: {  	s10 =	sadd.s32 $0xFFFFFFFF, s10;
	[sflag:s3] =	ssyncset.done $0x0  }
.LBB2_1:
0x12: {  	p0 =	sne.s32 s10, $0x1;
	s10 =	sadd.s32 $0xFFFFFFFF, s10;
	[sflag:s3] =	ssyncadd.s32 $0xFFFFFFF0  }
0x13: {  	[tilespmem:s2], [sflag:$0x2] =	stream.linear.gather [hbm4b:s4+s2], $0x10, $0x38;
	[tilespmem:$0x100] =	vst v63  }
0x14: {  	_ =	swait.ge [sflag:s3], $0x10  }
0x15: {  	[sflag:s3] =	ssyncset.done $0x0  }
0x16: {  	[sflag:s3] =	ssyncadd.s32 $0xFFFFFFF0  }
0x17: {  	[tilespmem:s7], [sflag:$0x1] =	stream.indirect.gather [hbm4b:s5+s6], $0x1, s2, s6, $0xb8;
	[tilespmem:$0x100] =	vst v63  }
0x18: {  	_ =	swait.ge [sflag:s8], $0x10  }
.Ltmp1:
0x19: {  	[sflag:s8] =	ssyncset.done $0x0;
	(pc) =	sbr.rel @p0 .LBB2_1-.Ltmp1, $4  }
0x1a: {  	[sflag:s8] =	ssyncadd.s32 $0xFFFFFFF0  }
0x1b: {  	[hbm4b:s9+s2] =	stream.linear.scatter [tilespmem:s7], [sflag:$0x2], $0x10, $0x38;
	[tilespmem:$0x100] =	vst v63  }
0x1c: {  	_ =	swait.ge [sflag:s3], $0x10  }
0x1d: {  	[sflag:s3] =	ssyncset.done $0x0  }
.LBB2_2:
0x1e: {  	[sflag:s3] =	ssyncadd.s32 $0xFFFFFFF0  }
0x1f: {  	_ =	sfence.sel $0x180000  }
0x20: {  	[bflag:$0x0] =	sbarrier.arrive $0xFFFF  }
0x21: {  	p0 =	sne.s32 s0, $0x0;
	_ =	strace $0x90000047  }
0x22: {  	s0 =	sadd.s32 @!p0 $0x100000, s1;
	[bflag:$0x2] =	sbarrier.arrive $0xFFFF  }
0x23: {  	[sflag:s0] =	ssyncadd.tile.s32 @!p0 $0x1;
	_ =	shalt  }
.Lfunc_end2:
_tile_overlayer_lowered:
.L_overlay_start_2:
0x24: {  	(tag) =	ssettag $0x2  }
0x25: {  	s0 =	rddreg [dreg:$0x0];
	s2 =	stileid.u32  }
0x26: {  	s1 =	rddreg [dreg:$0x1];
	p0 =	sne.s32 s2, $0x0  }
0x27: {  	s3 =	rddreg [dreg:$0x2];
	[bflag:$0x3] =	sbarrier.arrive $0xFFFF;
	s2 =	simm.s32 @!p0 $0x1C02  }
0x28: {  	[timem:s3], [sflag:s2] =	dma.local @!p0 [hbm:s0], s1  }
0x29: {  	s0 =	simm.s32 @!p0 $0x2  }
0x2a: {  	_ =	swait.ge @!p0 [sflag:s0], s1  }
0x2b: {  	s1 =	ssub.s32 @!p0 $0x0, s1;
	[sflag:s0] =	ssyncset.done @!p0 $0x0  }
0x2c: {  	[sflag:s0] =	ssyncadd.s32 @!p0 s1  }
0x2d: {  	[bflag:$0x3] =	sbarrier.arrive $0xFFFF  }
0x2e: {  	_ =	shalt  }

</sc_bundles>
